<compile_context>
chip_gen: v7x
topology: tpu7x:2x2x1
jax: 0.10.2.dev20260603
libtpu: 0.0.44.dev20260713+nightly
codegen_flags: <defaults>
</compile_context>

<pallas_src>
import functools

import jax
import jax.numpy as jnp
from jax import lax
from jax.experimental import pallas as pl
from jax.experimental.pallas import tpu as pltpu
from jax.experimental.pallas import tpu_sc as plsc

VOCAB = 1000000
EMB = 64
BATCH = 4096
SEQ = 200

NC = 2
NS = 16
L = 16
NW = NC * NS
B_PER_W = BATCH // NW
HALF = SEQ // 2
INV_S = 1.0 / SEQ


def _seq_encoder_body(table_hbm, idx_hbm, out_hbm, idx_v, rows_v, out_v, sem):
    wid = lax.axis_index("s") * NC + lax.axis_index("c")
    base = wid * B_PER_W

    pltpu.sync_copy(idx_hbm.at[pl.ds(base * 2, 2 * B_PER_W)], idx_v)

    def per_batch(b, _):
        cp0 = pltpu.async_copy(
            table_hbm.at[idx_v.at[2 * b]], rows_v.at[pl.ds(0, HALF)], sem)
        cp1 = pltpu.async_copy(
            table_hbm.at[idx_v.at[2 * b + 1]], rows_v.at[pl.ds(HALF, HALF)], sem)
        cp0.wait()
        cp1.wait()

        def reduce_step(j, acc):
            a0, a1, a2, a3 = acc
            a0 = a0 + rows_v[j, pl.ds(0 * L, L)]
            a1 = a1 + rows_v[j, pl.ds(1 * L, L)]
            a2 = a2 + rows_v[j, pl.ds(2 * L, L)]
            a3 = a3 + rows_v[j, pl.ds(3 * L, L)]
            return (a0, a1, a2, a3)

        zero = jnp.zeros((L,), jnp.float32)
        a0, a1, a2, a3 = lax.fori_loop(
            0, SEQ, reduce_step, (zero, zero, zero, zero), unroll=4)
        out_v[b, pl.ds(0 * L, L)] = a0 * INV_S
        out_v[b, pl.ds(1 * L, L)] = a1 * INV_S
        out_v[b, pl.ds(2 * L, L)] = a2 * INV_S
        out_v[b, pl.ds(3 * L, L)] = a3 * INV_S
        return _

    lax.fori_loop(0, B_PER_W, per_batch, 0)

    pltpu.sync_copy(out_v, out_hbm.at[pl.ds(base, B_PER_W)])


@functools.partial(jax.jit, static_argnames=())
def _seq_encoder(idx2d, table):
    mesh = plsc.VectorSubcoreMesh(core_axis_name="c", subcore_axis_name="s")
    k = pl.kernel(
        _seq_encoder_body,
        out_type=jax.ShapeDtypeStruct((BATCH, EMB), jnp.float32),
        mesh=mesh,
        compiler_params=pltpu.CompilerParams(use_tc_tiling_on_sc=False),
        scratch_types=[
            pltpu.VMEM((2 * B_PER_W, HALF), jnp.int32),
            pltpu.VMEM((SEQ, EMB), jnp.float32),
            pltpu.VMEM((B_PER_W, EMB), jnp.float32),
            pltpu.SemaphoreType.DMA,
        ],
    )
    return k(table, idx2d)


def kernel(inputs, table):
    idx2d = inputs.astype(jnp.int32).reshape(BATCH * 2, HALF)
    return _seq_encoder(idx2d, table)

# --- scband reference (transcript-rebuilt; emitter-appended) ---
"""Pipeline reference for scband-seq-encoder-61615600828679 (READ-ONLY COPY).

The authoritative reference and input builder live on the scoring server;
editing this copy changes nothing except your own understanding.
"""

import jax, jax.numpy as jnp
import numpy as np

VOCAB = 1000000
EMB = 64
BATCH = 4096
SEQ = 200

def setup_inputs(seed: int = 0) -> dict:
    key = jax.random.key(seed)
    k1, k2 = jax.random.split(key)
    inputs = jax.random.randint(k1, (BATCH, SEQ), 0, VOCAB, dtype=jnp.int64 if jax.config.jax_enable_x64 else jnp.int32)
    table = jax.random.uniform(k2, (VOCAB, EMB), minval=-0.1, maxval=0.1, dtype=jnp.float32)
    table = table.at[0].set(0.0)  # mimic nn.init.constant_(weight[0], 0)
    return {"inputs": inputs, "table": table}

def reference(inputs, table):
    # inputs: int[B, S]; table: float32[V, D]
    batch_size, seq_len = inputs.shape
    emb = jnp.take(table, inputs, axis=0)           # [B, S, D] gather
    # dropout omitted (eval mode / deterministic reference)
    encoding = jnp.sum(emb, axis=1, keepdims=True) / seq_len
    encoding = jnp.squeeze(encoding, axis=1)        # [B, D]
    return encoding

if __name__ == "__main__":
    import jax
    _d = setup_inputs()
    print(jax.jit(kernel)(*tuple(_d.values())))

</pallas_src>

<mosaic_0001>
#map = affine_map<(d0, d1) -> (0, 0)>
module attributes {stable_mosaic.version = 14 : i64} {
  func.func @_seq_encoder_body(%arg0: i32, %arg1: i32, %arg2: memref<1000000x64xf32, #tpu.memory_space<hbm>>, %arg3: memref<8192x100xi32, #tpu.memory_space<hbm>>, %arg4: memref<4096x64xf32, #tpu.memory_space<hbm>>, %arg5: memref<256x100xi32, #tpu.memory_space<vmem>>, %arg6: memref<200x64xf32, #tpu.memory_space<vmem>>, %arg7: memref<128x64xf32, #tpu.memory_space<vmem>>, %arg8: memref<!tpu.dma_semaphore, #tpu.memory_space<semaphore_mem>>) attributes {dimension_semantics = [#tpu.dimension_semantics<core_parallel>, #tpu.dimension_semantics<subcore_parallel>], iteration_bounds = array<i64: 2, 16>, scalar_prefetch = 0 : i64, scratch_operands = 4 : i64, tpu.core_type = #tpu.core_type<sc_vector_subcore>, window_params = [{transform_indices = #map}, {transform_indices = #map}, {transform_indices = #map}]} {
    %mul3A = arith.constant 2 : i32
    %mul3A_0 = arith.muli %arg1, %mul3A : i32
    %add3A = arith.addi %mul3A_0, %arg0 : i32
    %mul3A_1 = arith.constant 128 : i32
    %mul3A_2 = arith.muli %add3A, %mul3A_1 : i32
    %mul3A_3 = arith.constant 2 : i32
    %mul3A_4 = arith.muli %mul3A_2, %mul3A_3 : i32
    "tpu.region"() ({
      %run_scoped3A = tpu.sem_alloc : memref<!tpu.dma_semaphore, #tpu.memory_space<semaphore_mem>>
      %dma_start3A = arith.constant 0 : i32
      %dma_start3A_10 = tpu.memref_slice %arg3[%mul3A_4, %dma_start3A] : memref<8192x100xi32, #tpu.memory_space<hbm>> -> memref<256x100xi32, #tpu.memory_space<hbm>>
      %dma_start3A_11 = arith.constant 0 : i32
      %dma_start3A_12 = tpu.memref_slice %arg3[%mul3A_4, %dma_start3A_11] : memref<8192x100xi32, #tpu.memory_space<hbm>> -> memref<256x100xi32, #tpu.memory_space<hbm>>
      tpu.enqueue_dma source(%dma_start3A_12 : memref<256x100xi32, #tpu.memory_space<hbm>>) target(%arg5 : memref<256x100xi32, #tpu.memory_space<vmem>>) target_semaphore(%run_scoped3A : memref<!tpu.dma_semaphore, #tpu.memory_space<semaphore_mem>>)
      %dma_wait3A = arith.constant 0 : i32
      %dma_wait3A_13 = tpu.memref_slice %arg3[%mul3A_4, %dma_wait3A] : memref<8192x100xi32, #tpu.memory_space<hbm>> -> memref<256x100xi32, #tpu.memory_space<hbm>>
      %dma_wait3A_14 = arith.constant 0 : i32
      %dma_wait3A_15 = tpu.memref_slice %arg3[%mul3A_4, %dma_wait3A_14] : memref<8192x100xi32, #tpu.memory_space<hbm>> -> memref<256x100xi32, #tpu.memory_space<hbm>>
      tpu.wait_dma2 semaphore(%run_scoped3A : memref<!tpu.dma_semaphore, #tpu.memory_space<semaphore_mem>>) src(%dma_wait3A_15 : memref<256x100xi32, #tpu.memory_space<hbm>>) dst(%arg5 : memref<256x100xi32, #tpu.memory_space<vmem>>)
      tpu.yield
    }) : () -> ()
    %scan3A = arith.constant 0 : i32
    %scan3A_5 = arith.constant 0 : i32
    %scan3A_6 = arith.constant 128 : i32
    %scan3A_7 = arith.addi %scan3A_5, %scan3A_6 : i32
    %scan3A_8 = arith.constant 1 : i32
    scf.for %scan3A_10 = %scan3A_5 to %scan3A_7 step %scan3A_8  : i32 {
      %mul3A_11 = arith.constant 2 : i32
      %mul3A_12 = arith.muli %mul3A_11, %scan3A_10 : i32
      %dma_start3A = arith.constant 0 : i32
      %dma_start3A_13 = arith.constant 0 : i32
      %dma_start3A_14 = tpu.memref_slice %arg6[%dma_start3A, %dma_start3A_13] : memref<200x64xf32, #tpu.memory_space<vmem>> -> memref<100x64xf32, #tpu.memory_space<vmem>>
      %dma_start3A_15 = arith.constant 0 : i32
      %dma_start3A_16 = tpu.memref_slice %arg5[%mul3A_12, %dma_start3A_15] : memref<256x100xi32, #tpu.memory_space<vmem>> -> memref<1x100xi32, #tpu.memory_space<vmem>>
      %dma_start3A_17 = tpu.memref_squeeze %dma_start3A_16 : memref<1x100xi32, #tpu.memory_space<vmem>> -> memref<100xi32, #tpu.memory_space<vmem>>
      %dma_start3A_18 = arith.constant 0 : i32
      %dma_start3A_19 = arith.constant 0 : i32
      %dma_start3A_20 = tpu.memref_slice %arg2[%dma_start3A_18, %dma_start3A_19] : memref<1000000x64xf32, #tpu.memory_space<hbm>> -> memref<1000000x64xf32, #tpu.memory_space<hbm>>
      tpu.enqueue_indirect_dma source(%dma_start3A_20 : memref<1000000x64xf32, #tpu.memory_space<hbm>>) target(%dma_start3A_14 : memref<100x64xf32, #tpu.memory_space<vmem>>) offsets(%dma_start3A_17 : memref<100xi32, #tpu.memory_space<vmem>>) semaphore(%arg8 : memref<!tpu.dma_semaphore, #tpu.memory_space<semaphore_mem>>)
      %mul3A_21 = arith.constant 2 : i32
      %mul3A_22 = arith.muli %mul3A_21, %scan3A_10 : i32
      %add3A_23 = arith.constant 1 : i32
      %add3A_24 = arith.addi %mul3A_22, %add3A_23 : i32
      %dma_start3A_25 = arith.constant 100 : i32
      %dma_start3A_26 = arith.constant 0 : i32
      %dma_start3A_27 = tpu.memref_slice %arg6[%dma_start3A_25, %dma_start3A_26] : memref<200x64xf32, #tpu.memory_space<vmem>> -> memref<100x64xf32, #tpu.memory_space<vmem>>
      %dma_start3A_28 = arith.constant 0 : i32
      %dma_start3A_29 = tpu.memref_slice %arg5[%add3A_24, %dma_start3A_28] : memref<256x100xi32, #tpu.memory_space<vmem>> -> memref<1x100xi32, #tpu.memory_space<vmem>>
      %dma_start3A_30 = tpu.memref_squeeze %dma_start3A_29 : memref<1x100xi32, #tpu.memory_space<vmem>> -> memref<100xi32, #tpu.memory_space<vmem>>
      %dma_start3A_31 = arith.constant 0 : i32
      %dma_start3A_32 = arith.constant 0 : i32
      %dma_start3A_33 = tpu.memref_slice %arg2[%dma_start3A_31, %dma_start3A_32] : memref<1000000x64xf32, #tpu.memory_space<hbm>> -> memref<1000000x64xf32, #tpu.memory_space<hbm>>
      tpu.enqueue_indirect_dma source(%dma_start3A_33 : memref<1000000x64xf32, #tpu.memory_space<hbm>>) target(%dma_start3A_27 : memref<100x64xf32, #tpu.memory_space<vmem>>) offsets(%dma_start3A_30 : memref<100xi32, #tpu.memory_space<vmem>>) semaphore(%arg8 : memref<!tpu.dma_semaphore, #tpu.memory_space<semaphore_mem>>)
      %dma_wait3A = arith.constant 0 : i32
      %dma_wait3A_34 = arith.constant 0 : i32
      %dma_wait3A_35 = tpu.memref_slice %arg6[%dma_wait3A, %dma_wait3A_34] : memref<200x64xf32, #tpu.memory_space<vmem>> -> memref<100x64xf32, #tpu.memory_space<vmem>>
      %dma_wait3A_36 = arith.constant 0 : i32
      %dma_wait3A_37 = tpu.memref_slice %arg5[%mul3A_12, %dma_wait3A_36] : memref<256x100xi32, #tpu.memory_space<vmem>> -> memref<1x100xi32, #tpu.memory_space<vmem>>
      %dma_wait3A_38 = tpu.memref_squeeze %dma_wait3A_37 : memref<1x100xi32, #tpu.memory_space<vmem>> -> memref<100xi32, #tpu.memory_space<vmem>>
      %dma_wait3A_39 = arith.constant 0 : i32
      %dma_wait3A_40 = arith.constant 0 : i32
      %dma_wait3A_41 = tpu.memref_slice %arg2[%dma_wait3A_39, %dma_wait3A_40] : memref<1000000x64xf32, #tpu.memory_space<hbm>> -> memref<1000000x64xf32, #tpu.memory_space<hbm>>
      tpu.wait_indirect_dma semaphore(%arg8 : memref<!tpu.dma_semaphore, #tpu.memory_space<semaphore_mem>>) src(%dma_wait3A_41 : memref<1000000x64xf32, #tpu.memory_space<hbm>>) dst(%dma_wait3A_35 : memref<100x64xf32, #tpu.memory_space<vmem>>)
      %dma_wait3A_42 = arith.constant 100 : i32
      %dma_wait3A_43 = arith.constant 0 : i32
      %dma_wait3A_44 = tpu.memref_slice %arg6[%dma_wait3A_42, %dma_wait3A_43] : memref<200x64xf32, #tpu.memory_space<vmem>> -> memref<100x64xf32, #tpu.memory_space<vmem>>
      %dma_wait3A_45 = arith.constant 0 : i32
      %dma_wait3A_46 = tpu.memref_slice %arg5[%add3A_24, %dma_wait3A_45] : memref<256x100xi32, #tpu.memory_space<vmem>> -> memref<1x100xi32, #tpu.memory_space<vmem>>
      %dma_wait3A_47 = tpu.memref_squeeze %dma_wait3A_46 : memref<1x100xi32, #tpu.memory_space<vmem>> -> memref<100xi32, #tpu.memory_space<vmem>>
      %dma_wait3A_48 = arith.constant 0 : i32
      %dma_wait3A_49 = arith.constant 0 : i32
      %dma_wait3A_50 = tpu.memref_slice %arg2[%dma_wait3A_48, %dma_wait3A_49] : memref<1000000x64xf32, #tpu.memory_space<hbm>> -> memref<1000000x64xf32, #tpu.memory_space<hbm>>
      tpu.wait_indirect_dma semaphore(%arg8 : memref<!tpu.dma_semaphore, #tpu.memory_space<semaphore_mem>>) src(%dma_wait3A_50 : memref<1000000x64xf32, #tpu.memory_space<hbm>>) dst(%dma_wait3A_44 : memref<100x64xf32, #tpu.memory_space<vmem>>)
      %broadcast_in_dim3A = arith.constant 0.000000e+00 : f32
      %broadcast_in_dim3A_51 = vector.broadcast %broadcast_in_dim3A : f32 to vector<16xf32>
      %scan3A_52 = arith.constant 0 : i32
      %scan3A_53 = arith.constant 200 : i32
      %scan3A_54 = arith.addi %scan3A_52, %scan3A_53 : i32
      %scan3A_55 = arith.constant 4 : i32
      %scan3A_56:4 = scf.for %scan3A_89 = %scan3A_52 to %scan3A_54 step %scan3A_55 iter_args(%scan3A_90 = %broadcast_in_dim3A_51, %scan3A_91 = %broadcast_in_dim3A_51, %scan3A_92 = %broadcast_in_dim3A_51, %scan3A_93 = %broadcast_in_dim3A_51) -> (vector<16xf32>, vector<16xf32>, vector<16xf32>, vector<16xf32>)  : i32 {
        %get3A = arith.index_cast %scan3A_89 : i32 to index
        %get3A_94 = arith.constant 0 : index
        %get3A_95 = tpu.vector_load %arg6[%get3A, %get3A_94] {strides = array<i32>} : memref<200x64xf32, #tpu.memory_space<vmem>>, vector<1x16xf32>,
        %get3A_96 = vector.shape_cast %get3A_95 : vector<1x16xf32> to vector<16xf32>
        %add3A_97 = arith.addf %scan3A_90, %get3A_96 : vector<16xf32>
        %get3A_98 = arith.index_cast %scan3A_89 : i32 to index
        %get3A_99 = arith.constant 16 : index
        %get3A_100 = tpu.vector_load %arg6[%get3A_98, %get3A_99] {strides = array<i32>} : memref<200x64xf32, #tpu.memory_space<vmem>>, vector<1x16xf32>,
        %get3A_101 = vector.shape_cast %get3A_100 : vector<1x16xf32> to vector<16xf32>
        %add3A_102 = arith.addf %scan3A_91, %get3A_101 : vector<16xf32>
        %get3A_103 = arith.index_cast %scan3A_89 : i32 to index
        %get3A_104 = arith.constant 32 : index
        %get3A_105 = tpu.vector_load %arg6[%get3A_103, %get3A_104] {strides = array<i32>} : memref<200x64xf32, #tpu.memory_space<vmem>>, vector<1x16xf32>,
        %get3A_106 = vector.shape_cast %get3A_105 : vector<1x16xf32> to vector<16xf32>
        %add3A_107 = arith.addf %scan3A_92, %get3A_106 : vector<16xf32>
        %get3A_108 = arith.index_cast %scan3A_89 : i32 to index
        %get3A_109 = arith.constant 48 : index
        %get3A_110 = tpu.vector_load %arg6[%get3A_108, %get3A_109] {strides = array<i32>} : memref<200x64xf32, #tpu.memory_space<vmem>>, vector<1x16xf32>,
        %get3A_111 = vector.shape_cast %get3A_110 : vector<1x16xf32> to vector<16xf32>
        %add3A_112 = arith.addf %scan3A_93, %get3A_111 : vector<16xf32>
        %scan3A_113 = arith.constant 1 : i32
        %scan3A_114 = arith.addi %scan3A_89, %scan3A_113 : i32
        %get3A_115 = arith.index_cast %scan3A_114 : i32 to index
        %get3A_116 = arith.constant 0 : index
        %get3A_117 = tpu.vector_load %arg6[%get3A_115, %get3A_116] {strides = array<i32>} : memref<200x64xf32, #tpu.memory_space<vmem>>, vector<1x16xf32>,
        %get3A_118 = vector.shape_cast %get3A_117 : vector<1x16xf32> to vector<16xf32>
        %add3A_119 = arith.addf %add3A_97, %get3A_118 : vector<16xf32>
        %get3A_120 = arith.index_cast %scan3A_114 : i32 to index
        %get3A_121 = arith.constant 16 : index
        %get3A_122 = tpu.vector_load %arg6[%get3A_120, %get3A_121] {strides = array<i32>} : memref<200x64xf32, #tpu.memory_space<vmem>>, vector<1x16xf32>,
        %get3A_123 = vector.shape_cast %get3A_122 : vector<1x16xf32> to vector<16xf32>
        %add3A_124 = arith.addf %add3A_102, %get3A_123 : vector<16xf32>
        %get3A_125 = arith.index_cast %scan3A_114 : i32 to index
        %get3A_126 = arith.constant 32 : index
        %get3A_127 = tpu.vector_load %arg6[%get3A_125, %get3A_126] {strides = array<i32>} : memref<200x64xf32, #tpu.memory_space<vmem>>, vector<1x16xf32>,
        %get3A_128 = vector.shape_cast %get3A_127 : vector<1x16xf32> to vector<16xf32>
        %add3A_129 = arith.addf %add3A_107, %get3A_128 : vector<16xf32>
        %get3A_130 = arith.index_cast %scan3A_114 : i32 to index
        %get3A_131 = arith.constant 48 : index
        %get3A_132 = tpu.vector_load %arg6[%get3A_130, %get3A_131] {strides = array<i32>} : memref<200x64xf32, #tpu.memory_space<vmem>>, vector<1x16xf32>,
        %get3A_133 = vector.shape_cast %get3A_132 : vector<1x16xf32> to vector<16xf32>
        %add3A_134 = arith.addf %add3A_112, %get3A_133 : vector<16xf32>
        %scan3A_135 = arith.constant 2 : i32
        %scan3A_136 = arith.addi %scan3A_89, %scan3A_135 : i32
        %get3A_137 = arith.index_cast %scan3A_136 : i32 to index
        %get3A_138 = arith.constant 0 : index
        %get3A_139 = tpu.vector_load %arg6[%get3A_137, %get3A_138] {strides = array<i32>} : memref<200x64xf32, #tpu.memory_space<vmem>>, vector<1x16xf32>,
        %get3A_140 = vector.shape_cast %get3A_139 : vector<1x16xf32> to vector<16xf32>
        %add3A_141 = arith.addf %add3A_119, %get3A_140 : vector<16xf32>
        %get3A_142 = arith.index_cast %scan3A_136 : i32 to index
        %get3A_143 = arith.constant 16 : index
        %get3A_144 = tpu.vector_load %arg6[%get3A_142, %get3A_143] {strides = array<i32>} : memref<200x64xf32, #tpu.memory_space<vmem>>, vector<1x16xf32>,
        %get3A_145 = vector.shape_cast %get3A_144 : vector<1x16xf32> to vector<16xf32>
        %add3A_146 = arith.addf %add3A_124, %get3A_145 : vector<16xf32>
        %get3A_147 = arith.index_cast %scan3A_136 : i32 to index
        %get3A_148 = arith.constant 32 : index
        %get3A_149 = tpu.vector_load %arg6[%get3A_147, %get3A_148] {strides = array<i32>} : memref<200x64xf32, #tpu.memory_space<vmem>>, vector<1x16xf32>,
        %get3A_150 = vector.shape_cast %get3A_149 : vector<1x16xf32> to vector<16xf32>
        %add3A_151 = arith.addf %add3A_129, %get3A_150 : vector<16xf32>
        %get3A_152 = arith.index_cast %scan3A_136 : i32 to index
        %get3A_153 = arith.constant 48 : index
        %get3A_154 = tpu.vector_load %arg6[%get3A_152, %get3A_153] {strides = array<i32>} : memref<200x64xf32, #tpu.memory_space<vmem>>, vector<1x16xf32>,
        %get3A_155 = vector.shape_cast %get3A_154 : vector<1x16xf32> to vector<16xf32>
        %add3A_156 = arith.addf %add3A_134, %get3A_155 : vector<16xf32>
        %scan3A_157 = arith.constant 3 : i32
        %scan3A_158 = arith.addi %scan3A_89, %scan3A_157 : i32
        %get3A_159 = arith.index_cast %scan3A_158 : i32 to index
        %get3A_160 = arith.constant 0 : index
        %get3A_161 = tpu.vector_load %arg6[%get3A_159, %get3A_160] {strides = array<i32>} : memref<200x64xf32, #tpu.memory_space<vmem>>, vector<1x16xf32>,
        %get3A_162 = vector.shape_cast %get3A_161 : vector<1x16xf32> to vector<16xf32>
        %add3A_163 = arith.addf %add3A_141, %get3A_162 : vector<16xf32>
        %get3A_164 = arith.index_cast %scan3A_158 : i32 to index
        %get3A_165 = arith.constant 16 : index
        %get3A_166 = tpu.vector_load %arg6[%get3A_164, %get3A_165] {strides = array<i32>} : memref<200x64xf32, #tpu.memory_space<vmem>>, vector<1x16xf32>,
        %get3A_167 = vector.shape_cast %get3A_166 : vector<1x16xf32> to vector<16xf32>
        %add3A_168 = arith.addf %add3A_146, %get3A_167 : vector<16xf32>
        %get3A_169 = arith.index_cast %scan3A_158 : i32 to index
        %get3A_170 = arith.constant 32 : index
        %get3A_171 = tpu.vector_load %arg6[%get3A_169, %get3A_170] {strides = array<i32>} : memref<200x64xf32, #tpu.memory_space<vmem>>, vector<1x16xf32>,
        %get3A_172 = vector.shape_cast %get3A_171 : vector<1x16xf32> to vector<16xf32>
        %add3A_173 = arith.addf %add3A_151, %get3A_172 : vector<16xf32>
        %get3A_174 = arith.index_cast %scan3A_158 : i32 to index
        %get3A_175 = arith.constant 48 : index
        %get3A_176 = tpu.vector_load %arg6[%get3A_174, %get3A_175] {strides = array<i32>} : memref<200x64xf32, #tpu.memory_space<vmem>>, vector<1x16xf32>,
        %get3A_177 = vector.shape_cast %get3A_176 : vector<1x16xf32> to vector<16xf32>
        %add3A_178 = arith.addf %add3A_156, %get3A_177 : vector<16xf32>
        scf.yield %add3A_163, %add3A_168, %add3A_173, %add3A_178 : vector<16xf32>, vector<16xf32>, vector<16xf32>, vector<16xf32>
      }
      %scan3A_57 = arith.constant 200 : i32
      %mul3A_58 = arith.constant 5.000000e-03 : f32
      %mul3A_59 = vector.broadcast %mul3A_58 : f32 to vector<16xf32>
      %mul3A_60 = arith.mulf %scan3A_56#0, %mul3A_59 : vector<16xf32>
      %swap3A = arith.index_cast %scan3A_10 : i32 to index
      %swap3A_61 = arith.constant 0 : index
      %swap3A_62 = tpu.vector_load %arg7[%swap3A, %swap3A_61] {strides = array<i32>} : memref<128x64xf32, #tpu.memory_space<vmem>>, vector<1x16xf32>,
      %swap3A_63 = vector.shape_cast %swap3A_62 : vector<1x16xf32> to vector<16xf32>
      %swap3A_64 = vector.shape_cast %mul3A_60 : vector<16xf32> to vector<1x16xf32>
      tpu.vector_store %arg7[%swap3A, %swap3A_61], %swap3A_64 {strides = array<i32>} : memref<128x64xf32, #tpu.memory_space<vmem>>, vector<1x16xf32>,
      %mul3A_65 = arith.constant 5.000000e-03 : f32
      %mul3A_66 = vector.broadcast %mul3A_65 : f32 to vector<16xf32>
      %mul3A_67 = arith.mulf %scan3A_56#1, %mul3A_66 : vector<16xf32>
      %swap3A_68 = arith.index_cast %scan3A_10 : i32 to index
      %swap3A_69 = arith.constant 16 : index
      %swap3A_70 = tpu.vector_load %arg7[%swap3A_68, %swap3A_69] {strides = array<i32>} : memref<128x64xf32, #tpu.memory_space<vmem>>, vector<1x16xf32>,
      %swap3A_71 = vector.shape_cast %swap3A_70 : vector<1x16xf32> to vector<16xf32>
      %swap3A_72 = vector.shape_cast %mul3A_67 : vector<16xf32> to vector<1x16xf32>
      tpu.vector_store %arg7[%swap3A_68, %swap3A_69], %swap3A_72 {strides = array<i32>} : memref<128x64xf32, #tpu.memory_space<vmem>>, vector<1x16xf32>,
      %mul3A_73 = arith.constant 5.000000e-03 : f32
      %mul3A_74 = vector.broadcast %mul3A_73 : f32 to vector<16xf32>
      %mul3A_75 = arith.mulf %scan3A_56#2, %mul3A_74 : vector<16xf32>
      %swap3A_76 = arith.index_cast %scan3A_10 : i32 to index
      %swap3A_77 = arith.constant 32 : index
      %swap3A_78 = tpu.vector_load %arg7[%swap3A_76, %swap3A_77] {strides = array<i32>} : memref<128x64xf32, #tpu.memory_space<vmem>>, vector<1x16xf32>,
      %swap3A_79 = vector.shape_cast %swap3A_78 : vector<1x16xf32> to vector<16xf32>
      %swap3A_80 = vector.shape_cast %mul3A_75 : vector<16xf32> to vector<1x16xf32>
      tpu.vector_store %arg7[%swap3A_76, %swap3A_77], %swap3A_80 {strides = array<i32>} : memref<128x64xf32, #tpu.memory_space<vmem>>, vector<1x16xf32>,
      %mul3A_81 = arith.constant 5.000000e-03 : f32
      %mul3A_82 = vector.broadcast %mul3A_81 : f32 to vector<16xf32>
      %mul3A_83 = arith.mulf %scan3A_56#3, %mul3A_82 : vector<16xf32>
      %swap3A_84 = arith.index_cast %scan3A_10 : i32 to index
      %swap3A_85 = arith.constant 48 : index
      %swap3A_86 = tpu.vector_load %arg7[%swap3A_84, %swap3A_85] {strides = array<i32>} : memref<128x64xf32, #tpu.memory_space<vmem>>, vector<1x16xf32>,
      %swap3A_87 = vector.shape_cast %swap3A_86 : vector<1x16xf32> to vector<16xf32>
      %swap3A_88 = vector.shape_cast %mul3A_83 : vector<16xf32> to vector<1x16xf32>
      tpu.vector_store %arg7[%swap3A_84, %swap3A_85], %swap3A_88 {strides = array<i32>} : memref<128x64xf32, #tpu.memory_space<vmem>>, vector<1x16xf32>,
    }
    %scan3A_9 = arith.constant 128 : i32
    "tpu.region"() ({
      %run_scoped3A = tpu.sem_alloc : memref<!tpu.dma_semaphore, #tpu.memory_space<semaphore_mem>>
      %dma_start3A = arith.constant 0 : i32
      %dma_start3A_10 = tpu.memref_slice %arg4[%mul3A_2, %dma_start3A] : memref<4096x64xf32, #tpu.memory_space<hbm>> -> memref<128x64xf32, #tpu.memory_space<hbm>>
      %dma_start3A_11 = arith.constant 0 : i32
      %dma_start3A_12 = tpu.memref_slice %arg4[%mul3A_2, %dma_start3A_11] : memref<4096x64xf32, #tpu.memory_space<hbm>> -> memref<128x64xf32, #tpu.memory_space<hbm>>
      tpu.enqueue_dma source(%arg7 : memref<128x64xf32, #tpu.memory_space<vmem>>) target(%dma_start3A_12 : memref<128x64xf32, #tpu.memory_space<hbm>>) target_semaphore(%run_scoped3A : memref<!tpu.dma_semaphore, #tpu.memory_space<semaphore_mem>>)
      %dma_wait3A = arith.constant 0 : i32
      %dma_wait3A_13 = tpu.memref_slice %arg4[%mul3A_2, %dma_wait3A] : memref<4096x64xf32, #tpu.memory_space<hbm>> -> memref<128x64xf32, #tpu.memory_space<hbm>>
      %dma_wait3A_14 = arith.constant 0 : i32
      %dma_wait3A_15 = tpu.memref_slice %arg4[%mul3A_2, %dma_wait3A_14] : memref<4096x64xf32, #tpu.memory_space<hbm>> -> memref<128x64xf32, #tpu.memory_space<hbm>>
      tpu.wait_dma2 semaphore(%run_scoped3A : memref<!tpu.dma_semaphore, #tpu.memory_space<semaphore_mem>>) src(%arg7 : memref<128x64xf32, #tpu.memory_space<vmem>>) dst(%dma_wait3A_15 : memref<128x64xf32, #tpu.memory_space<hbm>>)
      tpu.yield
    }) : () -> ()
    return
  }
}

</mosaic_0001>

<sc_bundles>
// kernel: _seq_encoder.3.cloned.1.call-start
scs
__scs_entry_jumppad:
0x0: {  	(pc) =	sbr.rel $0x88, $3  }
0x1: {  	(tag) =	ssettag $0x0;
	lr =	simm.s32 $0x1  }
0x2: {  	[smem:$0x3F9F] =	sst lr;
	_ =	strace $0xD0000000  }
0x3: {  	_ = 	snop  }
0x4: {  	_ = 	snop  }
0x5: {  	_ = 	snop  }
0x6: {  	_ = 	snop  }
0x7: {  	_ = 	snop  }
__scs_overlays_trampoline_lowered:
0x8: {  	[smem:$0x3FAE] =	sst s0  }
0x9: {  	[smem:$0x3FAF] =	sst s1  }
0xa: {  	[smem:$0x3FB0] =	sst s2  }
0xb: {  	[smem:$0x3FB1] =	sst s3  }
0xc: {  	[smem:$0x3FB2] =	sst s4  }
0xd: {  	[smem:$0x3FB3] =	sst s5  }
0xe: {  	[smem:$0x3FB4] =	sst s6  }
0xf: {  	[smem:$0x3FB5] =	sst s7  }
0x10: {  	[smem:$0x3FB6] =	sst s8  }
0x11: {  	[smem:$0x3FB7] =	sst s9;
	s0 =	simm.s32 @!p0 $0x0  }
0x12: {  	s1 =	sld [smem:$0x3F9D];
	s0 =	simm.s32 @p0 $0x1  }
0x13: {  	[smem:$0x3FB8] =	sst s0;
	s0 =	simm.s32 @!p1 $0x0  }
0x14: {  	s2 =	sld [smem:$0x3F9C];
	s0 =	simm.s32 @p1 $0x1  }
0x15: {  	[smem:$0x3FB9] =	sst s0;
	s0 =	simm.s32 @!p2 $0x0  }
0x16: {  	s3 =	sld [smem:$0x3FDB];
	s0 =	simm.s32 @p2 $0x1  }
0x17: {  	s4 =	simm.s32 $0x1BF5;
	[smem:$0x3FBB] =	sst s0  }
0x18: {  	s0 =	sld [smem:$0x3F9E];
	_ =	swait.ge [sflag:s4], $0x0  }
0x19: {  	s7 =	sld [smem:$0x3F9F]  }
0x1a: {  	s8 =	sadd.s32 $0xFFFFE003, lr  }
0x1b: {  	s9 =	sadd.s32 $0xFFFFFEF7, lr;
	s5 =	simm.s32 $0xFFFFFFFF;
	p2 =	slt.u32 s8, $0xFFFFF086  }
0x1c: {  	p1 =	slt.u32 s9, $0xF7A;
	s5 =	simm.s32 @!p2 $0x0  }
0x1d: {  	s5 =	simm.s32 @p1 $0x1;
	p0 =	seq.s32 s7, s2  }
0x1e: {  	s7 =	smul.u32 @!p0 $0xF7A, s2;
	p2 =	seq.s32 @!p0 s5, $0x0  }
0x1f: {  	s9 =	smul.u32 $0xF7A, s1;
	s8 =	simm.s32 @!p0 $0x1BF5;
	p2 =	por !p2, p0  }
0x20: {  	[sflag:s8] =	ssyncset.s32 @!p0 $0xFFFFF086;
	s6 =	sadd.s32 @!p0 s3, s7;
	s7 =	simm.s32 @!p0 $0x108  }
0x21: {  	s3 =	sadd.s32 s3, s9;
	s6 =	sadd.s32 @!p0 $0x88, s6;
	s7 =	simm.s32 @p2 $0x1082  }
0x22: {  	[simem:s7], [sflag:s8] =	dma.local @!p0 [hbm:s6], $0xF7A  }
0x23: {  	s9 =	sor.u32 $0xD0000000, s2;
	s6 =	simm.s32 $0x108;
	_ =	swait.ge @!p0 [sflag:s8], $0x0  }
0x24: {  	s3 =	sadd.s32 $0x88, s3;
	s6 =	simm.s32 @!p1 $0x1082;
	[sflag:s4] =	ssyncset.s32 $0xFFFFF086  }
0x25: {  	[simem:s6], [sflag:s4] =	dma.local [hbm:s3], $0xF7A  }
0x26: {  	[smem:$0x3F9F] =	sst s1;
	(tag) =	ssettag s2;
	_ =	strace s9  }
0x27: {  	s1 =	sld [smem:$0x3FAF]  }
0x28: {  	s2 =	sld [smem:$0x3FB0]  }
0x29: {  	s4 =	sld [smem:$0x3FB2]  }
0x2a: {  	p0 =	seq.s32 s5, $0x0;
	s5 =	sld [smem:$0x3FB3]  }
0x2b: {  	s6 =	sld [smem:$0x3FB4]  }
0x2c: {  	s7 =	sld [smem:$0x3FB5]  }
0x2d: {  	s3 =	simm.s32 $0x108;
	s8 =	sld [smem:$0x3FB6]  }
0x2e: {  	s3 =	simm.s32 @!p0 $0x1082;
	s9 =	sld [smem:$0x3FB7]  }
0x2f: {  	lr =	sadd.s32 s0, s3;
	s0 =	sld [smem:$0x3FAE]  }
0x30: {  	s3 =	sld [smem:$0x3FB1]  }
0x31: {  	[smem:$0x3FBA] =	sst s10  }
0x32: {  	s10 =	sld [smem:$0x3FB8];
	_ =	sdelay $0x3  }
0x33: {  	p0 =	seq.s32 s10, $0x1;
	s10 =	sld [smem:$0x3FBA];
	_ =	sdelay $0x3  }
0x34: {  	[smem:$0x3FBA] =	sst s10  }
0x35: {  	s10 =	sld [smem:$0x3FB9];
	_ =	sdelay $0x3  }
0x36: {  	p1 =	seq.s32 s10, $0x1;
	s10 =	sld [smem:$0x3FBA];
	_ =	sdelay $0x3  }
0x37: {  	[smem:$0x3FBA] =	sst s10  }
0x38: {  	s10 =	sld [smem:$0x3FBB]  }
0x39: {  	_ = 	snop;
	(pc) =	sbr.ind lr, $3  }
0x3a: {  	_ = 	snop  }
0x3b: {  	_ = 	snop  }
0x3c: {  	p2 =	seq.s32 s10, $0x1;
	s10 =	sld [smem:$0x3FBA]  }
0x3d: {  	_ =	shalt  }
0x3e: {  	_ =	shalt  }
0x3f: {  	_ =	shalt  }
0x40: {  	_ =	shalt  }
0x41: {  	_ =	shalt  }
0x42: {  	_ =	shalt  }
0x43: {  	_ =	shalt  }
0x44: {  	_ =	shalt  }
0x45: {  	_ =	shalt  }
0x46: {  	_ =	shalt  }
0x47: {  	_ =	shalt  }
0x48: {  	_ =	shalt  }
0x49: {  	_ =	shalt  }
0x4a: {  	_ =	shalt  }
0x4b: {  	_ =	shalt  }
0x4c: {  	_ =	shalt  }
0x4d: {  	_ =	shalt  }
0x4e: {  	_ =	shalt  }
0x4f: {  	_ =	shalt  }
0x50: {  	_ =	shalt  }
0x51: {  	_ =	shalt  }
0x52: {  	_ =	shalt  }
0x53: {  	_ =	shalt  }
0x54: {  	_ =	shalt  }
0x55: {  	_ =	shalt  }
0x56: {  	_ =	shalt  }
0x57: {  	_ =	shalt  }
0x58: {  	_ =	shalt  }
0x59: {  	_ =	shalt  }
0x5a: {  	_ =	shalt  }
0x5b: {  	_ =	shalt  }
0x5c: {  	_ =	shalt  }
0x5d: {  	_ =	shalt  }
0x5e: {  	_ =	shalt  }
0x5f: {  	_ =	shalt  }
0x60: {  	_ =	shalt  }
0x61: {  	_ =	shalt  }
0x62: {  	_ =	shalt  }
0x63: {  	_ =	shalt  }
0x64: {  	_ =	shalt  }
0x65: {  	_ =	shalt  }
0x66: {  	_ =	shalt  }
0x67: {  	_ =	shalt  }
0x68: {  	_ =	shalt  }
0x69: {  	_ =	shalt  }
0x6a: {  	_ =	shalt  }
0x6b: {  	_ =	shalt  }
0x6c: {  	_ =	shalt  }
0x6d: {  	_ =	shalt  }
0x6e: {  	_ =	shalt  }
0x6f: {  	_ =	shalt  }
0x70: {  	_ =	shalt  }
0x71: {  	_ =	shalt  }
0x72: {  	_ =	shalt  }
0x73: {  	_ =	shalt  }
0x74: {  	_ =	shalt  }
0x75: {  	_ =	shalt  }
0x76: {  	_ =	shalt  }
0x77: {  	_ =	shalt  }
0x78: {  	_ =	shalt  }
0x79: {  	_ =	shalt  }
0x7a: {  	_ =	shalt  }
0x7b: {  	_ =	shalt  }
0x7c: {  	_ =	shalt  }
0x7d: {  	_ =	shalt  }
0x7e: {  	_ =	shalt  }
0x7f: {  	_ =	shalt  }
0x80: {  	_ =	shalt  }
0x81: {  	_ =	shalt  }
0x82: {  	_ =	shalt  }
0x83: {  	_ =	shalt  }
0x84: {  	_ =	shalt  }
0x85: {  	_ =	shalt  }
0x86: {  	_ =	shalt  }
0x87: {  	_ =	shalt  }
.Lfunc_end0:
.L_simem_size_0:
called_computation_lowered:
.L_overlay_start_0:
0x88: {  	s2 =	sld [smem:$0x3FD9]  }
0x89: {  	s3 =	sld [smem:$0x3FFE];
	_ =	sdelay $0x1  }
0x8a: {  	s1 =	srdreg.scid  }
0x8b: {  	s0 =	sand.u32 $0x1, s1  }
0x8c: {  	s17 =	sshll.u32 s0, $0xA;
	s2 =	sadd.s32 s3, s2  }
0x8d: {  	s2 =	sadd.s32 s2, s17  }
0x8e: {  	[smem:$0x3FC6] =	sst s2  }
0x8f: {  	_ = 	snop  }
0x90: {  	s2 =	sld [smem:$0x3FD0];
	(tm) =	ssettm $0x1  }
0x91: {  	s18 =	sld [smem:$0x3FFB];
	_ =	sdelay $0x3  }
0x92: {  	_ =	strace s18  }
0x93: {  	s3 =	sld [smem:$0x3FFC];
	_ =	sdelay $0x3  }
0x94: {  	_ =	strace s3  }
0x95: {  	s3 =	sld [smem:$0x3FFD];
	_ =	sdelay $0x3  }
0x96: {  	_ =	strace s3  }
0x97: {  	_ =	strace $0x8FFFFFFF  }
0x98: {  	s19 =	sld [smem:$0x3FDB];
	_ =	sdelay $0x1  }
0x99: {  	s4 =	simm.s32 $_scs_section_size  }
0x9a: {  	s5 =	simm.s32 $_size__tile_overlayer_lowered;
	s6 =	simm.s32 $_tile_overlayer_lowered  }
0x9b: {  	s22 =	simm.s32 $0x1BFF;
	s21 =	sshll.u32 s6, $0x1;
	s3 =	sadd.s32 s4, s19  }
0x9c: {  	s7 =	simm.s32 $0x0;
	s20 =	sshll.u32 s5, $0x1;
	s5 =	sadd.s32 s21, s3  }
0x9d: {  	[timem:s7], [sflag:s22] =	dma.local [hbm:s5], s20  }
0x9e: {  	_ =	swait.ge [sflag:s22], s20  }
0x9f: {  	s4 =	ssub.s32 $0x0, s20;
	[sflag:s22] =	ssyncset.done $0x0  }
0xa0: {  	[sflag:s22] =	ssyncadd.s32 s4;
	_ =	sdelay $0x1  }
0xa1: {  	s23 =	simm.s32 $0x1B8B  }
0xa2: {  	_ =	swait.ge [sflag:s23], $0x1  }
0xa3: {  	[sflag:s23] =	ssyncset.done $0x0  }
0xa4: {  	s25 =	simm.s32 $0x1B8E;
	s24 =	sld [smem:$0x3FFE];
	[sflag:s23] =	ssyncadd.s32 $0xFFFFFFFF  }
0xa5: {  	s26 =	simm.s32 $execute0_lowered;
	[smem:$0x3FD2] =	sst s25  }
0xa6: {  	s5 =	sshll.u32 s26, $0x1;
	_ =	strace $0x80000046;
	[dreg:$0x1] =	wrdreg $0xFFFFFFFF  }
0xa7: {  	s28 =	simm.s32 $_size_execute0_lowered;
	s3 =	sadd.s32 s3, s5;
	[dreg:$0x0] =	wrdreg $0x0  }
0xa8: {  	s5 =	sshll.u32 s28, $0x1;
	[dreg:$0x2] =	wrdreg s3  }
0xa9: {  	[dreg:$0x3] =	wrdreg s5  }
0xaa: {  	[dreg:$0x4] =	wrdreg $0xC0  }
0xab: {  	_ =	task [dreg:s7], $0x5FFFF  }
0xac: {  	[dreg:$0x1] =	wrdreg $0xFFFFFFFF  }
0xad: {  	[dreg:$0x0] =	wrdreg $0x60  }
0xae: {  	[dreg:$0x2] =	wrdreg s24  }
0xaf: {  	[dreg:$0x3] =	wrdreg s2  }
0xb0: {  	[dreg:$0x4] =	wrdreg $0x9  }
0xb1: {  	_ =	task.clear_ibuf [dreg:s7], $0x5FFFF;
	_ =	strace $0x90000046  }
0xb2: {  	s29 =	simm.s32 $0x9;
	_ =	strace $0x80000048  }
0xb3: {  	_ =	swait.ge [sflag:s29], $0x1  }
0xb4: {  	[sflag:s29] =	ssyncadd.s32 $0xFFFFFFFF  }
0xb5: {  	_ =	strace $0x90000048  }
0xb6: {  	_ =	sfence  }
0xb7: {  	s30 =	sld [smem:$0x0];
	_ =	sdelay $0x2  }
0xb8: {  	s31 =	sshll.u32 s1, $0xD;
	s1 =	sshrl.u32 s1, $0x2  }
0xb9: {  	s3 =	sand.u32 $0x4000, s31;
	s1 =	sadd.s32 s1, s30  }
0xba: {  	s0 =	sor.u32 s3, s0;
	s1 =	sshll.u32 s1, $0x11  }
0xbb: {  	s0 =	sor.u32 s1, s0  }
0xbc: {  	s0 =	sadd.s32 $0x8F2B, s0  }
0xbd: {  	[sflag:s0] =	ssyncadd.remote.s32 $0x1  }
0xbe: {  	_ =	sfence.sel $0xFFFF  }
0xbf: {  	[dreg:$0x0] =	wrdreg $0xFFFFFFFF;
	(pc) =	sbr.abs _section_cstart, $3  }
0xc0: {  	[dreg:$0x1] =	wrdreg $0xFFFFFFFF  }
0xc1: {  	_ =	task.clear_ibuf [dreg:s7], $0x2FFFF;
	_ =	strace $0x9FFFFFFF  }
0xc2: {  	(tm) =	ssettm $0x7FFFFFFF  }
0xc3: {  	_ =	shalt  }
tec
execute0_lowered:
.L_overlay_start_1:
0x0: {  	(tag) =	ssettag $0x1  }
0x1: {  	s4 =	rddreg [dreg:$0x0];
	s1 =	srdreg.scid  }
0x2: {  	s0 =	stileid.u32;
	s5 =	rddreg [dreg:$0x1]  }
0x3: {  	s2 =	simm.s32 $0x0;
	s9 =	simm.s32 $0x6800;
	s10 =	simm.s32 $0x8100  }
0x4: {  	s11 =	simm.s32 $0x1;
	s12 =	simm.s32 $0x9A00;
	s13 =	simm.s32 $0x0  }
0x5: {  	s3 =	sand.u32 $0x1, s1;
	s6 =	sshll.u32 s0, $0x1;
	[smem:$0x7FF] =	sst s2  }
0x6: {  	s1 =	rddreg [dreg:$0x2];
	s6 =	sor.u32 s3, s6;
	_ =	strace $0x80000047  }
0x7: {  	s8 =	ssub.s32 $0x2, s3;
	s7 =	smul.u32 $0xD00, s6;
	s6 =	sshll.u32 s6, $0xA  }
0x8: {  	s3 =	sadd.s32 $0xF42A00, s4;
	s31 =	sshrl.u32 s8, $0x1;
	s5 =	sadd.s32 s5, s6  }
0x9: {  	s4 =	sadd.s32 s7, s4;
	s7 =	ssub.s32 s8, s31;
	s8 =	simm.s32 $0x64  }
0xa: {  	s4 =	sadd.s32 $0x600, s4;
	s6 =	smax.u32 s7, $0x1;
	s7 =	simm.s32 $0x2  }
.LBB2_1:
0xb: {  	[tilespmem:s2], [sflag:$0x2] =	stream.linear.gather [hbm4b:s4+s2], $0x6800, $0x38;
	[tilespmem:$0xBA00] =	vst v63  }
0xc: {  	_ =	swait.ge [sflag:s7], $0x6800  }
0xd: {  	[sflag:s7] =	ssyncset.done $0x0  }
0xe: {  	s14 =	simm.s32 $0x0;
	[sflag:s7] =	ssyncadd.s32 $0xFFFF9800  }
.LBB2_2:
0xf: {  	s15 =	smul.u32 $0x340, s14;
	_ =	sdelay $0x1  }
0x10: {  	s15 =	sshra.s32 s15, $0x2  }
0x11: {  	[tilespmem:s9], [sflag:$0x1] =	stream.indirect.gather [hbm4b:s3+s8], $0x40, s15, s8, $0xb8;
	[tilespmem:$0xBA00] =	vst v63  }
0x12: {  	s15 =	sadd.s32 $0x68, s15  }
0x13: {  	[tilespmem:s10], [sflag:$0x1] =	stream.indirect.gather [hbm4b:s3+s8], $0x40, s15, s8, $0xb8;
	[tilespmem:$0xBA00] =	vst v63  }
0x14: {  	_ =	swait.ge [sflag:s11], $0x1900  }
0x15: {  	[sflag:s11] =	ssyncset.done $0x0  }
0x16: {  	[sflag:s11] =	ssyncadd.s32 $0xFFFFE700  }
0x17: {  	_ =	swait.ge [sflag:s11], $0x1900  }
0x18: {  	[sflag:s11] =	ssyncset.done $0x0  }
0x19: {  	s16 =	simm.s32 $0x6880;
	[sflag:s11] =	ssyncadd.s32 $0xFFFFE700  }
0x1a: {  	v0 =	vld [tilespmem:s16+$0x40]  }
0x1b: {  	v1 =	vld [tilespmem:s16+$0x50]  }
0x1c: {  	v2 =	vld [tilespmem:s16+$0x0]  }
0x1d: {  	v3 =	vld [tilespmem:s16+$0x10]  }
0x1e: {  	v9 =	vld [tilespmem:s16+$0xFFFFFFC0]  }
0x1f: {  	v12 =	vld [tilespmem:s16+$0xFFFFFFD0]  }
0x20: {  	v5 =	vld [tilespmem:s16+$0xFFFFFF80]  }
0x21: {  	v7 =	vld [tilespmem:s16+$0xFFFFFF90]  }
0x22: {  	v10 =	vld [tilespmem:s16+$0xFFFFFFA0]  }
0x23: {  	v13 =	vld [tilespmem:s16+$0xFFFFFFB0]  }
0x24: {  	v6 =	vld [tilespmem:s16+$0xFFFFFFE0]  }
0x25: {  	v8 =	vld [tilespmem:s16+$0xFFFFFFF0]  }
0x26: {  	v14 =	vimm.f32 $0.0e+00;
	v4 =	vld [tilespmem:s16+$0x20]  }
0x27: {  	v15 =	vadd.f32 v5, v14;
	v16 =	vadd.f32 v7, v14;
	v7 =	vld [tilespmem:s16+$0x30]  }
0x28: {  	v11 =	vadd.f32 v10, v14;
	v10 =	vadd.f32 v13, v14;
	v5 =	vld [tilespmem:s16+$0x60]  }
0x29: {  	s15 =	simm.s32 $0x0;
	v13 =	vadd.f32 v9, v15;
	v12 =	vadd.f32 v12, v16;
	v9 =	vld [tilespmem:s16+$0x70];
	s16 =	simm.s32 $0x6980  }
.LBB2_3:
0x2a: {  	v14 =	vld [tilespmem:s16+$0x40];
	v6 =	vadd.f32 v6, v11;
	v8 =	vadd.f32 v8, v10  }
0x2b: {  	v10 =	vld [tilespmem:s16+$0x50];
	v11 =	vadd.f32 v2, v13;
	v12 =	vadd.f32 v3, v12  }
0x2c: {  	v2 =	vld [tilespmem:s16+$0x0];
	v4 =	vadd.f32 v4, v6;
	v6 =	vadd.f32 v7, v8  }
0x2d: {  	v3 =	vld [tilespmem:s16+$0x10];
	v7 =	vadd.f32 v0, v11;
	v11 =	vadd.f32 v1, v12  }
0x2e: {  	v12 =	vld [tilespmem:s16+$0xFFFFFFC0];
	v5 =	vadd.f32 v5, v4;
	v9 =	vadd.f32 v9, v6  }
0x2f: {  	v15 =	vld [tilespmem:s16+$0xFFFFFFD0];
	v0 =	vmov v14  }
0x30: {  	v13 =	vld [tilespmem:s16+$0xFFFFFF80];
	v1 =	vmov v10  }
0x31: {  	v10 =	vld [tilespmem:s16+$0xFFFFFF90]  }
0x32: {  	v14 =	vld [tilespmem:s16+$0xFFFFFFA0]  }
0x33: {  	s15 =	sadd.s32 $0x4, s15;
	v16 =	vld [tilespmem:s16+$0xFFFFFFB0]  }
0x34: {  	p0 =	slt.u32 s15, $0xC4;
	v6 =	vld [tilespmem:s16+$0xFFFFFFE0]  }
.Ltmp0:
0x35: {  	v8 =	vld [tilespmem:s16+$0xFFFFFFF0];
	(pc) =	sbr.rel @p0 .LBB2_3-.Ltmp0, $4  }
0x36: {  	v4 =	vld [tilespmem:s16+$0x20]  }
0x37: {  	v13 =	vadd.f32 v13, v7;
	v17 =	vadd.f32 v10, v11;
	v7 =	vld [tilespmem:s16+$0x30]  }
0x38: {  	v11 =	vadd.f32 v14, v5;
	v10 =	vadd.f32 v16, v9;
	v5 =	vld [tilespmem:s16+$0x60]  }
0x39: {  	v13 =	vadd.f32 v12, v13;
	v12 =	vadd.f32 v15, v17;
	v9 =	vld [tilespmem:s16+$0x70];
	s16 =	sadd.s32 $0x100, s16  }
0x3a: {  	_ = 	snop  }
0x3b: {  	v6 =	vadd.f32 v6, v11;
	v2 =	vadd.f32 v2, v13  }
0x3c: {  	v8 =	vadd.f32 v8, v10;
	v3 =	vadd.f32 v3, v12  }
0x3d: {  	v4 =	vadd.f32 v4, v6;
	v0 =	vadd.f32 v0, v2  }
0x3e: {  	s15 =	sshll.u32 s14, $0x6;
	s14 =	sadd.s32 $0x1, s14;
	v60 =	vadd.f32 v7, v8;
	v1 =	vadd.f32 v1, v3  }
0x3f: {  	p0 =	sne.s32 s14, $0x80;
	v61 =	vadd.f32 v5, v4;
	v0 =	vmul.f32 $4.999999890e-03, v0  }
.Ltmp1:
0x40: {  	s15 =	sand.u32 $0x3FFFFFC0, s15;
	v2 =	vadd.f32 v9, v60;
	v1 =	vmul.f32 $4.999999890e-03, v1;
	(pc) =	sbr.rel @p0 .LBB2_2-.Ltmp1, $4  }
0x41: {  	v62 =	vmul.f32 $4.999999890e-03, v61;
	[tilespmem:s15+$0x9A00] =	vst v0  }
0x42: {  	v63 =	vmul.f32 $4.999999890e-03, v2;
	[tilespmem:s15+$0x9A10] =	vst v1  }
0x43: {  	[tilespmem:s15+$0x9A20] =	vst v62  }
0x44: {  	[tilespmem:s15+$0x9A30] =	vst v63  }
0x45: {  	s13 =	sadd.s32 $0x1, s13  }
0x46: {  	p0 =	sne.s32 s13, s6  }
.Ltmp2:
0x47: {  	_ = 	snop;
	(pc) =	sbr.rel @p0 .LBB2_1-.Ltmp2, $4  }
0x48: {  	[hbm4b:s5+s2] =	stream.linear.scatter [tilespmem:s12], [sflag:$0x2], $0x2000, $0x38;
	[tilespmem:$0xBA00] =	vst v63  }
0x49: {  	_ =	swait.ge [sflag:s7], $0x2000  }
0x4a: {  	[sflag:s7] =	ssyncset.done $0x0  }
0x4b: {  	[sflag:s7] =	ssyncadd.s32 $0xFFFFE000  }
0x4c: {  	_ =	sfence.sel $0x180000  }
0x4d: {  	[bflag:$0x0] =	sbarrier.arrive $0xFFFF  }
0x4e: {  	p0 =	sne.s32 s0, $0x0;
	_ =	strace $0x90000047  }
0x4f: {  	s0 =	sadd.s32 @!p0 $0x100000, s1;
	[bflag:$0x2] =	sbarrier.arrive $0xFFFF  }
0x50: {  	[sflag:s0] =	ssyncadd.tile.s32 @!p0 $0x1;
	_ =	shalt  }
.Lfunc_end2:
_tile_overlayer_lowered:
.L_overlay_start_2:
0x51: {  	(tag) =	ssettag $0x2  }
0x52: {  	s0 =	rddreg [dreg:$0x0];
	s2 =	stileid.u32  }
0x53: {  	s1 =	rddreg [dreg:$0x1];
	p0 =	sne.s32 s2, $0x0  }
0x54: {  	s3 =	rddreg [dreg:$0x2];
	[bflag:$0x3] =	sbarrier.arrive $0xFFFF;
	s2 =	simm.s32 @!p0 $0x1C02  }
0x55: {  	[timem:s3], [sflag:s2] =	dma.local @!p0 [hbm:s0], s1  }
0x56: {  	s0 =	simm.s32 @!p0 $0x2  }
0x57: {  	_ =	swait.ge @!p0 [sflag:s0], s1  }
0x58: {  	s1 =	ssub.s32 @!p0 $0x0, s1;
	[sflag:s0] =	ssyncset.done @!p0 $0x0  }
0x59: {  	[sflag:s0] =	ssyncadd.s32 @!p0 s1  }
0x5a: {  	[bflag:$0x3] =	sbarrier.arrive $0xFFFF  }
0x5b: {  	_ =	shalt  }

</sc_bundles>
